<compile_context>
chip_gen: v7x
topology: tpu7x:2x2x1
jax: 0.10.2.dev20260603
libtpu: 0.0.44.dev20260713+nightly
codegen_flags: <defaults>
</compile_context>

<pallas_src>
import functools

import jax
import jax.numpy as jnp
from jax import lax
from jax.experimental import pallas as pl
from jax.experimental.pallas import tpu as pltpu
from jax.experimental.pallas import tpu_sc as plsc

N = 10000
H = 128
E = 320000

NS = 16
CHUNK = 128
NCH = 157
TILE_E = NCH * CHUNK
PADDED_E = NS * TILE_E
ACC_ROWS = 10240
ZROWS = ACC_ROWS // NS
WB = 624
WB_TAIL = N - NS * WB


def _sc_body(h_hbm, c_hbm, src_hbm, dst_hbm, z_hbm, hin_hbm, cin_hbm,
             sidx_v, didx_v, rows_v, acc, sem):
    cid = lax.axis_index("c")
    tid = lax.axis_index("s")

    pltpu.sync_copy(z_hbm, acc.at[pl.ds(tid * ZROWS, ZROWS)])
    plsc.subcore_barrier()

    def run(table_hbm, out_hbm):
        def chunk_body(i, carry):
            base = tid * TILE_E + i * CHUNK
            pltpu.sync_copy(src_hbm.at[pl.ds(base, CHUNK)], sidx_v)
            pltpu.sync_copy(dst_hbm.at[pl.ds(base, CHUNK)], didx_v)
            pltpu.async_copy(table_hbm.at[sidx_v], rows_v, sem).wait()
            pltpu.sync_copy(rows_v, acc.at[didx_v], add=True)
            return carry

        lax.fori_loop(0, NCH, chunk_body, 0)
        plsc.subcore_barrier()
        pltpu.sync_copy(acc.at[pl.ds(tid * WB, WB)],
                        out_hbm.at[pl.ds(tid * WB, WB)])

        @pl.when(tid == NS - 1)
        def _():
            pltpu.sync_copy(acc.at[pl.ds(NS * WB, WB_TAIL)],
                            out_hbm.at[pl.ds(NS * WB, WB_TAIL)])

    @pl.when(cid == 0)
    def _():
        run(h_hbm, hin_hbm)

    @pl.when(cid == 1)
    def _():
        run(c_hbm, cin_hbm)


_sc_segment_sums = functools.partial(
    pl.kernel,
    out_type=[jax.ShapeDtypeStruct((N, H), jnp.float32),
              jax.ShapeDtypeStruct((N, H), jnp.float32)],
    mesh=plsc.VectorSubcoreMesh(core_axis_name="c", subcore_axis_name="s"),
    scratch_types=[
        pltpu.VMEM((CHUNK,), jnp.int32),
        pltpu.VMEM((CHUNK,), jnp.int32),
        pltpu.VMEM((CHUNK, H), jnp.float32),
        pltpu.VMEM_SHARED((ACC_ROWS, H), jnp.float32),
        pltpu.SemaphoreType.DMA,
    ],
)(_sc_body)


def _lstm_body(x_ref, hin_ref, cin_ref, wt_ref, ut_ref, b_ref,
               hout_ref, cout_ref):
    s = (jnp.dot(x_ref[...], wt_ref[...], preferred_element_type=jnp.float32)
         + jnp.dot(hin_ref[...], ut_ref[...],
                   preferred_element_type=jnp.float32)
         + b_ref[...])
    i = jax.nn.sigmoid(s[:, 0:H])
    o = jax.nn.sigmoid(s[:, H:2 * H])
    u = jnp.tanh(s[:, 2 * H:3 * H])
    f = jax.nn.sigmoid(s[:, 3 * H:4 * H])
    c_new = i * u + f * cin_ref[...]
    cout_ref[...] = c_new
    hout_ref[...] = o * jnp.tanh(c_new)


def _lstm_tc(x, h_in, c_in, wt, ut, b):
    blk = 2000
    grid = (N // blk,)
    return pl.pallas_call(
        _lstm_body,
        grid=grid,
        in_specs=[
            pl.BlockSpec((blk, H), lambda i: (i, 0)),
            pl.BlockSpec((blk, H), lambda i: (i, 0)),
            pl.BlockSpec((blk, H), lambda i: (i, 0)),
            pl.BlockSpec((H, 4 * H), lambda i: (0, 0)),
            pl.BlockSpec((H, 4 * H), lambda i: (0, 0)),
            pl.BlockSpec((1, 4 * H), lambda i: (0, 0)),
        ],
        out_specs=[pl.BlockSpec((blk, H), lambda i: (i, 0)),
                   pl.BlockSpec((blk, H), lambda i: (i, 0))],
        out_shape=[jax.ShapeDtypeStruct((N, H), jnp.float32),
                   jax.ShapeDtypeStruct((N, H), jnp.float32)],
    )(x, h_in, c_in, wt, ut, b)


def kernel(x, h, c, edge_index, W_iouf_w, W_iouf_b, U_iouf_w, U_iouf_b):
    src = edge_index[0]
    dst = edge_index[1]
    pad = PADDED_E - E
    src_p = jnp.concatenate([src, jnp.zeros((pad,), jnp.int32)])
    dst_p = jnp.concatenate([dst, jnp.full((pad,), N, jnp.int32)])
    zeros = jnp.zeros((ZROWS, H), jnp.float32)

    h_in, c_in = _sc_segment_sums(h, c, src_p, dst_p, zeros)

    wt = W_iouf_w.T
    ut = U_iouf_w.T
    b = (W_iouf_b + U_iouf_b).reshape(1, 4 * H)
    return _lstm_tc(x, h_in, c_in, wt, ut, b)

# --- scband reference (transcript-rebuilt; emitter-appended) ---
"""Pipeline reference for scband-tree-lstmcellv2-25254407701045 (READ-ONLY COPY).

The authoritative reference and input builder live on the scoring server;
editing this copy changes nothing except your own understanding.
"""

import jax, jax.numpy as jnp
import numpy as np

N = 10000
E = 320000
X_SIZE = 128
H_SIZE = 128


def setup_inputs(seed: int = 0) -> dict:
    key = jax.random.key(seed)
    ks = jax.random.split(key, 8)
    x = jax.random.normal(ks[0], (N, X_SIZE), dtype=jnp.float32)
    h = jax.random.normal(ks[1], (N, H_SIZE), dtype=jnp.float32)
    c = jax.random.normal(ks[2], (N, H_SIZE), dtype=jnp.float32)
    edge_index = jax.random.randint(ks[3], (2, E), 0, N, dtype=jnp.int32)
    sw = 1.0 / np.sqrt(X_SIZE)
    su = 1.0 / np.sqrt(H_SIZE)
    W_iouf_w = jax.random.uniform(ks[4], (4 * H_SIZE, X_SIZE), dtype=jnp.float32, minval=-sw, maxval=sw)
    W_iouf_b = jax.random.uniform(ks[5], (4 * H_SIZE,), dtype=jnp.float32, minval=-sw, maxval=sw)
    U_iouf_w = jax.random.uniform(ks[6], (4 * H_SIZE, H_SIZE), dtype=jnp.float32, minval=-su, maxval=su)
    U_iouf_b = jax.random.uniform(ks[7], (4 * H_SIZE,), dtype=jnp.float32, minval=-su, maxval=su)
    return {"x": x, "h": h, "c": c, "edge_index": edge_index,
            "W_iouf_w": W_iouf_w, "W_iouf_b": W_iouf_b,
            "U_iouf_w": U_iouf_w, "U_iouf_b": U_iouf_b}


def reference(x, h, c, edge_index, W_iouf_w, W_iouf_b, U_iouf_w, U_iouf_b):
    # One tree-LSTM message-passing step (mode='sum'):
    # message_func: send src h, c along edges
    # reduce_func : sum incoming h, c per dst node, then gated update
    src = edge_index[0]
    dst = edge_index[1]
    n = x.shape[0]
    # x_iouf precomputed on node data (W_iouf applied to x)
    iouf = x @ W_iouf_w.T + W_iouf_b
    # gather src states and scatter-add into dst (sum reduction over mailbox)
    h_in = jax.ops.segment_sum(h[src], dst, num_segments=n)
    c_in = jax.ops.segment_sum(c[src], dst, num_segments=n)
    h_iouf = h_in @ U_iouf_w.T + U_iouf_b
    xi, xo, xu, xf = jnp.split(iouf, 4, axis=1)
    hi, ho, hu, hf = jnp.split(h_iouf, 4, axis=1)
    i = jax.nn.sigmoid(xi + hi)
    f = jax.nn.sigmoid(xf + hf)
    o = jax.nn.sigmoid(xo + ho)
    u = jnp.tanh(xu + hu)
    c_new = i * u + f * c_in
    h_new = o * jnp.tanh(c_new)
    return h_new, c_new

if __name__ == "__main__":
    import jax
    _d = setup_inputs()
    print(jax.jit(kernel)(*tuple(_d.values())))

</pallas_src>

<mosaic_0001>
#map = affine_map<(d0, d1) -> (0, 0)>
#map1 = affine_map<(d0, d1) -> (0)>
module attributes {stable_mosaic.version = 14 : i64} {
  func.func @_sc_body(%arg0: i32, %arg1: i32, %arg2: memref<10000x128xf32, #tpu.memory_space<hbm>>, %arg3: memref<10000x128xf32, #tpu.memory_space<hbm>>, %arg4: memref<321536xi32, #tpu.memory_space<hbm>>, %arg5: memref<321536xi32, #tpu.memory_space<hbm>>, %arg6: memref<640x128xf32, #tpu.memory_space<hbm>>, %arg7: memref<10000x128xf32, #tpu.memory_space<hbm>>, %arg8: memref<10000x128xf32, #tpu.memory_space<hbm>>, %arg9: memref<128xi32, #tpu.memory_space<vmem>>, %arg10: memref<128xi32, #tpu.memory_space<vmem>>, %arg11: memref<128x128xf32, #tpu.memory_space<vmem>>, %arg12: memref<10240x128xf32, #tpu.memory_space<vmem_shared>>, %arg13: memref<!tpu.dma_semaphore, #tpu.memory_space<semaphore_mem>>) attributes {dimension_semantics = [#tpu.dimension_semantics<core_parallel>, #tpu.dimension_semantics<subcore_parallel>], iteration_bounds = array<i64: 2, 16>, scalar_prefetch = 0 : i64, scratch_operands = 5 : i64, tpu.core_type = #tpu.core_type<sc_vector_subcore>, window_params = [{transform_indices = #map}, {transform_indices = #map}, {transform_indices = #map1}, {transform_indices = #map1}, {transform_indices = #map}, {transform_indices = #map}, {transform_indices = #map}]} {
    %mul3A = arith.constant 640 : i32
    %mul3A_0 = arith.muli %arg1, %mul3A : i32
    "tpu.region"() ({
      %run_scoped3A = tpu.sem_alloc : memref<!tpu.dma_semaphore, #tpu.memory_space<semaphore_mem>>
      %dma_start3A = arith.constant 0 : i32
      %dma_start3A_8 = tpu.memref_slice %arg12[%mul3A_0, %dma_start3A] : memref<10240x128xf32, #tpu.memory_space<vmem_shared>> -> memref<640x128xf32, #tpu.memory_space<vmem_shared>>
      tpu.enqueue_dma source(%arg6 : memref<640x128xf32, #tpu.memory_space<hbm>>) target(%dma_start3A_8 : memref<640x128xf32, #tpu.memory_space<vmem_shared>>) target_semaphore(%run_scoped3A : memref<!tpu.dma_semaphore, #tpu.memory_space<semaphore_mem>>)
      %dma_wait3A = arith.constant 0 : i32
      %dma_wait3A_9 = tpu.memref_slice %arg12[%mul3A_0, %dma_wait3A] : memref<10240x128xf32, #tpu.memory_space<vmem_shared>> -> memref<640x128xf32, #tpu.memory_space<vmem_shared>>
      tpu.wait_dma2 semaphore(%run_scoped3A : memref<!tpu.dma_semaphore, #tpu.memory_space<semaphore_mem>>) src(%arg6 : memref<640x128xf32, #tpu.memory_space<hbm>>) dst(%dma_wait3A_9 : memref<640x128xf32, #tpu.memory_space<vmem_shared>>)
      tpu.yield
    }) : () -> ()
    %barrier3A = arith.constant 0 : index
    tpu.barrier barrier_id(%barrier3A)
    %eq3A = arith.constant 0 : i32
    %eq3A_1 = arith.cmpi eq, %arg0, %eq3A : i32
    %convert_element_type3A = arith.extui %eq3A_1 : i1 to i32
    %cond3A = arith.constant 0 : i32
    %cond3A_2 = arith.cmpi ne, %convert_element_type3A, %cond3A : i32
    scf.if %cond3A_2 {
      %scan3A = arith.constant 0 : i32
      %scan3A_8 = arith.constant 0 : i32
      %scan3A_9 = arith.constant 157 : i32
      %scan3A_10 = arith.addi %scan3A_8, %scan3A_9 : i32
      %scan3A_11 = arith.constant 1 : i32
      scf.for %scan3A_23 = %scan3A_8 to %scan3A_10 step %scan3A_11  : i32 {
        %mul3A_24 = arith.constant 20096 : i32
        %mul3A_25 = arith.muli %arg1, %mul3A_24 : i32
        %mul3A_26 = arith.constant 128 : i32
        %mul3A_27 = arith.muli %scan3A_23, %mul3A_26 : i32
        %add3A = arith.addi %mul3A_25, %mul3A_27 : i32
        "tpu.region"() ({
          %run_scoped3A = tpu.sem_alloc : memref<!tpu.dma_semaphore, #tpu.memory_space<semaphore_mem>>
          %dma_start3A_32 = tpu.memref_slice %arg4[%add3A] : memref<321536xi32, #tpu.memory_space<hbm>> -> memref<128xi32, #tpu.memory_space<hbm>>
          %dma_start3A_33 = tpu.memref_slice %arg4[%add3A] : memref<321536xi32, #tpu.memory_space<hbm>> -> memref<128xi32, #tpu.memory_space<hbm>>
          tpu.enqueue_dma source(%dma_start3A_33 : memref<128xi32, #tpu.memory_space<hbm>>) target(%arg9 : memref<128xi32, #tpu.memory_space<vmem>>) target_semaphore(%run_scoped3A : memref<!tpu.dma_semaphore, #tpu.memory_space<semaphore_mem>>)
          %dma_wait3A_34 = tpu.memref_slice %arg4[%add3A] : memref<321536xi32, #tpu.memory_space<hbm>> -> memref<128xi32, #tpu.memory_space<hbm>>
          %dma_wait3A_35 = tpu.memref_slice %arg4[%add3A] : memref<321536xi32, #tpu.memory_space<hbm>> -> memref<128xi32, #tpu.memory_space<hbm>>
          tpu.wait_dma2 semaphore(%run_scoped3A : memref<!tpu.dma_semaphore, #tpu.memory_space<semaphore_mem>>) src(%dma_wait3A_35 : memref<128xi32, #tpu.memory_space<hbm>>) dst(%arg9 : memref<128xi32, #tpu.memory_space<vmem>>)
          tpu.yield
        }) : () -> ()
        "tpu.region"() ({
          %run_scoped3A = tpu.sem_alloc : memref<!tpu.dma_semaphore, #tpu.memory_space<semaphore_mem>>
          %dma_start3A_32 = tpu.memref_slice %arg5[%add3A] : memref<321536xi32, #tpu.memory_space<hbm>> -> memref<128xi32, #tpu.memory_space<hbm>>
          %dma_start3A_33 = tpu.memref_slice %arg5[%add3A] : memref<321536xi32, #tpu.memory_space<hbm>> -> memref<128xi32, #tpu.memory_space<hbm>>
          tpu.enqueue_dma source(%dma_start3A_33 : memref<128xi32, #tpu.memory_space<hbm>>) target(%arg10 : memref<128xi32, #tpu.memory_space<vmem>>) target_semaphore(%run_scoped3A : memref<!tpu.dma_semaphore, #tpu.memory_space<semaphore_mem>>)
          %dma_wait3A_34 = tpu.memref_slice %arg5[%add3A] : memref<321536xi32, #tpu.memory_space<hbm>> -> memref<128xi32, #tpu.memory_space<hbm>>
          %dma_wait3A_35 = tpu.memref_slice %arg5[%add3A] : memref<321536xi32, #tpu.memory_space<hbm>> -> memref<128xi32, #tpu.memory_space<hbm>>
          tpu.wait_dma2 semaphore(%run_scoped3A : memref<!tpu.dma_semaphore, #tpu.memory_space<semaphore_mem>>) src(%dma_wait3A_35 : memref<128xi32, #tpu.memory_space<hbm>>) dst(%arg10 : memref<128xi32, #tpu.memory_space<vmem>>)
          tpu.yield
        }) : () -> ()
        %dma_start3A = arith.constant 0 : i32
        %dma_start3A_28 = arith.constant 0 : i32
        %dma_start3A_29 = tpu.memref_slice %arg2[%dma_start3A, %dma_start3A_28] : memref<10000x128xf32, #tpu.memory_space<hbm>> -> memref<10000x128xf32, #tpu.memory_space<hbm>>
        tpu.enqueue_indirect_dma source(%dma_start3A_29 : memref<10000x128xf32, #tpu.memory_space<hbm>>) target(%arg11 : memref<128x128xf32, #tpu.memory_space<vmem>>) offsets(%arg9 : memref<128xi32, #tpu.memory_space<vmem>>) semaphore(%arg13 : memref<!tpu.dma_semaphore, #tpu.memory_space<semaphore_mem>>)
        %dma_wait3A = arith.constant 0 : i32
        %dma_wait3A_30 = arith.constant 0 : i32
        %dma_wait3A_31 = tpu.memref_slice %arg2[%dma_wait3A, %dma_wait3A_30] : memref<10000x128xf32, #tpu.memory_space<hbm>> -> memref<10000x128xf32, #tpu.memory_space<hbm>>
        tpu.wait_indirect_dma semaphore(%arg13 : memref<!tpu.dma_semaphore, #tpu.memory_space<semaphore_mem>>) src(%dma_wait3A_31 : memref<10000x128xf32, #tpu.memory_space<hbm>>) dst(%arg11 : memref<128x128xf32, #tpu.memory_space<vmem>>)
        "tpu.region"() ({
          %run_scoped3A = tpu.sem_alloc : memref<!tpu.dma_semaphore, #tpu.memory_space<semaphore_mem>>
          %dma_start3A_32 = arith.constant 0 : i32
          %dma_start3A_33 = arith.constant 0 : i32
          %dma_start3A_34 = tpu.memref_slice %arg12[%dma_start3A_32, %dma_start3A_33] : memref<10240x128xf32, #tpu.memory_space<vmem_shared>> -> memref<10240x128xf32, #tpu.memory_space<vmem_shared>>
          tpu.enqueue_indirect_dma source(%arg11 : memref<128x128xf32, #tpu.memory_space<vmem>>) target(%dma_start3A_34 : memref<10240x128xf32, #tpu.memory_space<vmem_shared>>) offsets(%arg10 : memref<128xi32, #tpu.memory_space<vmem>>) semaphore(%run_scoped3A : memref<!tpu.dma_semaphore, #tpu.memory_space<semaphore_mem>>) {add = true}
          %dma_wait3A_35 = arith.constant 0 : i32
          %dma_wait3A_36 = arith.constant 0 : i32
          %dma_wait3A_37 = tpu.memref_slice %arg12[%dma_wait3A_35, %dma_wait3A_36] : memref<10240x128xf32, #tpu.memory_space<vmem_shared>> -> memref<10240x128xf32, #tpu.memory_space<vmem_shared>>
          tpu.wait_indirect_dma semaphore(%run_scoped3A : memref<!tpu.dma_semaphore, #tpu.memory_space<semaphore_mem>>) src(%arg11 : memref<128x128xf32, #tpu.memory_space<vmem>>) dst(%dma_wait3A_37 : memref<10240x128xf32, #tpu.memory_space<vmem_shared>>)
          tpu.yield
        }) : () -> ()
      }
      %scan3A_12 = arith.constant 157 : i32
      %barrier3A_13 = arith.constant 0 : index
      tpu.barrier barrier_id(%barrier3A_13)
      %mul3A_14 = arith.constant 624 : i32
      %mul3A_15 = arith.muli %arg1, %mul3A_14 : i32
      %mul3A_16 = arith.constant 624 : i32
      %mul3A_17 = arith.muli %arg1, %mul3A_16 : i32
      "tpu.region"() ({
        %run_scoped3A = tpu.sem_alloc : memref<!tpu.dma_semaphore, #tpu.memory_space<semaphore_mem>>
        %dma_start3A = arith.constant 0 : i32
        %dma_start3A_23 = tpu.memref_slice %arg7[%mul3A_17, %dma_start3A] : memref<10000x128xf32, #tpu.memory_space<hbm>> -> memref<624x128xf32, #tpu.memory_space<hbm>>
        %dma_start3A_24 = arith.constant 0 : i32
        %dma_start3A_25 = tpu.memref_slice %arg12[%mul3A_15, %dma_start3A_24] : memref<10240x128xf32, #tpu.memory_space<vmem_shared>> -> memref<624x128xf32, #tpu.memory_space<vmem_shared>>
        tpu.enqueue_dma source(%dma_start3A_25 : memref<624x128xf32, #tpu.memory_space<vmem_shared>>) target(%dma_start3A_23 : memref<624x128xf32, #tpu.memory_space<hbm>>) target_semaphore(%run_scoped3A : memref<!tpu.dma_semaphore, #tpu.memory_space<semaphore_mem>>)
        %dma_wait3A = arith.constant 0 : i32
        %dma_wait3A_26 = tpu.memref_slice %arg7[%mul3A_17, %dma_wait3A] : memref<10000x128xf32, #tpu.memory_space<hbm>> -> memref<624x128xf32, #tpu.memory_space<hbm>>
        %dma_wait3A_27 = arith.constant 0 : i32
        %dma_wait3A_28 = tpu.memref_slice %arg12[%mul3A_15, %dma_wait3A_27] : memref<10240x128xf32, #tpu.memory_space<vmem_shared>> -> memref<624x128xf32, #tpu.memory_space<vmem_shared>>
        tpu.wait_dma2 semaphore(%run_scoped3A : memref<!tpu.dma_semaphore, #tpu.memory_space<semaphore_mem>>) src(%dma_wait3A_28 : memref<624x128xf32, #tpu.memory_space<vmem_shared>>) dst(%dma_wait3A_26 : memref<624x128xf32, #tpu.memory_space<hbm>>)
        tpu.yield
      }) : () -> ()
      %eq3A_18 = arith.constant 15 : i32
      %eq3A_19 = arith.cmpi eq, %arg1, %eq3A_18 : i32
      %convert_element_type3A_20 = arith.extui %eq3A_19 : i1 to i32
      %cond3A_21 = arith.constant 0 : i32
      %cond3A_22 = arith.cmpi ne, %convert_element_type3A_20, %cond3A_21 : i32
      scf.if %cond3A_22 {
        "tpu.region"() ({
          %run_scoped3A = tpu.sem_alloc : memref<!tpu.dma_semaphore, #tpu.memory_space<semaphore_mem>>
          %dma_start3A = arith.constant 9984 : i32
          %dma_start3A_23 = arith.constant 0 : i32
          %dma_start3A_24 = tpu.memref_slice %arg7[%dma_start3A, %dma_start3A_23] : memref<10000x128xf32, #tpu.memory_space<hbm>> -> memref<16x128xf32, #tpu.memory_space<hbm>>
          %dma_start3A_25 = arith.constant 9984 : i32
          %dma_start3A_26 = arith.constant 0 : i32
          %dma_start3A_27 = tpu.memref_slice %arg12[%dma_start3A_25, %dma_start3A_26] : memref<10240x128xf32, #tpu.memory_space<vmem_shared>> -> memref<16x128xf32, #tpu.memory_space<vmem_shared>>
          tpu.enqueue_dma source(%dma_start3A_27 : memref<16x128xf32, #tpu.memory_space<vmem_shared>>) target(%dma_start3A_24 : memref<16x128xf32, #tpu.memory_space<hbm>>) target_semaphore(%run_scoped3A : memref<!tpu.dma_semaphore, #tpu.memory_space<semaphore_mem>>)
          %dma_wait3A = arith.constant 9984 : i32
          %dma_wait3A_28 = arith.constant 0 : i32
          %dma_wait3A_29 = tpu.memref_slice %arg7[%dma_wait3A, %dma_wait3A_28] : memref<10000x128xf32, #tpu.memory_space<hbm>> -> memref<16x128xf32, #tpu.memory_space<hbm>>
          %dma_wait3A_30 = arith.constant 9984 : i32
          %dma_wait3A_31 = arith.constant 0 : i32
          %dma_wait3A_32 = tpu.memref_slice %arg12[%dma_wait3A_30, %dma_wait3A_31] : memref<10240x128xf32, #tpu.memory_space<vmem_shared>> -> memref<16x128xf32, #tpu.memory_space<vmem_shared>>
          tpu.wait_dma2 semaphore(%run_scoped3A : memref<!tpu.dma_semaphore, #tpu.memory_space<semaphore_mem>>) src(%dma_wait3A_32 : memref<16x128xf32, #tpu.memory_space<vmem_shared>>) dst(%dma_wait3A_29 : memref<16x128xf32, #tpu.memory_space<hbm>>)
          tpu.yield
        }) : () -> ()
      } else {
      }
    } else {
    }
    %eq3A_3 = arith.constant 1 : i32
    %eq3A_4 = arith.cmpi eq, %arg0, %eq3A_3 : i32
    %convert_element_type3A_5 = arith.extui %eq3A_4 : i1 to i32
    %cond3A_6 = arith.constant 0 : i32
    %cond3A_7 = arith.cmpi ne, %convert_element_type3A_5, %cond3A_6 : i32
    scf.if %cond3A_7 {
      %scan3A = arith.constant 0 : i32
      %scan3A_8 = arith.constant 0 : i32
      %scan3A_9 = arith.constant 157 : i32
      %scan3A_10 = arith.addi %scan3A_8, %scan3A_9 : i32
      %scan3A_11 = arith.constant 1 : i32
      scf.for %scan3A_23 = %scan3A_8 to %scan3A_10 step %scan3A_11  : i32 {
        %mul3A_24 = arith.constant 20096 : i32
        %mul3A_25 = arith.muli %arg1, %mul3A_24 : i32
        %mul3A_26 = arith.constant 128 : i32
        %mul3A_27 = arith.muli %scan3A_23, %mul3A_26 : i32
        %add3A = arith.addi %mul3A_25, %mul3A_27 : i32
        "tpu.region"() ({
          %run_scoped3A = tpu.sem_alloc : memref<!tpu.dma_semaphore, #tpu.memory_space<semaphore_mem>>
          %dma_start3A_32 = tpu.memref_slice %arg4[%add3A] : memref<321536xi32, #tpu.memory_space<hbm>> -> memref<128xi32, #tpu.memory_space<hbm>>
          %dma_start3A_33 = tpu.memref_slice %arg4[%add3A] : memref<321536xi32, #tpu.memory_space<hbm>> -> memref<128xi32, #tpu.memory_space<hbm>>
          tpu.enqueue_dma source(%dma_start3A_33 : memref<128xi32, #tpu.memory_space<hbm>>) target(%arg9 : memref<128xi32, #tpu.memory_space<vmem>>) target_semaphore(%run_scoped3A : memref<!tpu.dma_semaphore, #tpu.memory_space<semaphore_mem>>)
          %dma_wait3A_34 = tpu.memref_slice %arg4[%add3A] : memref<321536xi32, #tpu.memory_space<hbm>> -> memref<128xi32, #tpu.memory_space<hbm>>
          %dma_wait3A_35 = tpu.memref_slice %arg4[%add3A] : memref<321536xi32, #tpu.memory_space<hbm>> -> memref<128xi32, #tpu.memory_space<hbm>>
          tpu.wait_dma2 semaphore(%run_scoped3A : memref<!tpu.dma_semaphore, #tpu.memory_space<semaphore_mem>>) src(%dma_wait3A_35 : memref<128xi32, #tpu.memory_space<hbm>>) dst(%arg9 : memref<128xi32, #tpu.memory_space<vmem>>)
          tpu.yield
        }) : () -> ()
        "tpu.region"() ({
          %run_scoped3A = tpu.sem_alloc : memref<!tpu.dma_semaphore, #tpu.memory_space<semaphore_mem>>
          %dma_start3A_32 = tpu.memref_slice %arg5[%add3A] : memref<321536xi32, #tpu.memory_space<hbm>> -> memref<128xi32, #tpu.memory_space<hbm>>
          %dma_start3A_33 = tpu.memref_slice %arg5[%add3A] : memref<321536xi32, #tpu.memory_space<hbm>> -> memref<128xi32, #tpu.memory_space<hbm>>
          tpu.enqueue_dma source(%dma_start3A_33 : memref<128xi32, #tpu.memory_space<hbm>>) target(%arg10 : memref<128xi32, #tpu.memory_space<vmem>>) target_semaphore(%run_scoped3A : memref<!tpu.dma_semaphore, #tpu.memory_space<semaphore_mem>>)
          %dma_wait3A_34 = tpu.memref_slice %arg5[%add3A] : memref<321536xi32, #tpu.memory_space<hbm>> -> memref<128xi32, #tpu.memory_space<hbm>>
          %dma_wait3A_35 = tpu.memref_slice %arg5[%add3A] : memref<321536xi32, #tpu.memory_space<hbm>> -> memref<128xi32, #tpu.memory_space<hbm>>
          tpu.wait_dma2 semaphore(%run_scoped3A : memref<!tpu.dma_semaphore, #tpu.memory_space<semaphore_mem>>) src(%dma_wait3A_35 : memref<128xi32, #tpu.memory_space<hbm>>) dst(%arg10 : memref<128xi32, #tpu.memory_space<vmem>>)
          tpu.yield
        }) : () -> ()
        %dma_start3A = arith.constant 0 : i32
        %dma_start3A_28 = arith.constant 0 : i32
        %dma_start3A_29 = tpu.memref_slice %arg3[%dma_start3A, %dma_start3A_28] : memref<10000x128xf32, #tpu.memory_space<hbm>> -> memref<10000x128xf32, #tpu.memory_space<hbm>>
        tpu.enqueue_indirect_dma source(%dma_start3A_29 : memref<10000x128xf32, #tpu.memory_space<hbm>>) target(%arg11 : memref<128x128xf32, #tpu.memory_space<vmem>>) offsets(%arg9 : memref<128xi32, #tpu.memory_space<vmem>>) semaphore(%arg13 : memref<!tpu.dma_semaphore, #tpu.memory_space<semaphore_mem>>)
        %dma_wait3A = arith.constant 0 : i32
        %dma_wait3A_30 = arith.constant 0 : i32
        %dma_wait3A_31 = tpu.memref_slice %arg3[%dma_wait3A, %dma_wait3A_30] : memref<10000x128xf32, #tpu.memory_space<hbm>> -> memref<10000x128xf32, #tpu.memory_space<hbm>>
        tpu.wait_indirect_dma semaphore(%arg13 : memref<!tpu.dma_semaphore, #tpu.memory_space<semaphore_mem>>) src(%dma_wait3A_31 : memref<10000x128xf32, #tpu.memory_space<hbm>>) dst(%arg11 : memref<128x128xf32, #tpu.memory_space<vmem>>)
        "tpu.region"() ({
          %run_scoped3A = tpu.sem_alloc : memref<!tpu.dma_semaphore, #tpu.memory_space<semaphore_mem>>
          %dma_start3A_32 = arith.constant 0 : i32
          %dma_start3A_33 = arith.constant 0 : i32
          %dma_start3A_34 = tpu.memref_slice %arg12[%dma_start3A_32, %dma_start3A_33] : memref<10240x128xf32, #tpu.memory_space<vmem_shared>> -> memref<10240x128xf32, #tpu.memory_space<vmem_shared>>
          tpu.enqueue_indirect_dma source(%arg11 : memref<128x128xf32, #tpu.memory_space<vmem>>) target(%dma_start3A_34 : memref<10240x128xf32, #tpu.memory_space<vmem_shared>>) offsets(%arg10 : memref<128xi32, #tpu.memory_space<vmem>>) semaphore(%run_scoped3A : memref<!tpu.dma_semaphore, #tpu.memory_space<semaphore_mem>>) {add = true}
          %dma_wait3A_35 = arith.constant 0 : i32
          %dma_wait3A_36 = arith.constant 0 : i32
          %dma_wait3A_37 = tpu.memref_slice %arg12[%dma_wait3A_35, %dma_wait3A_36] : memref<10240x128xf32, #tpu.memory_space<vmem_shared>> -> memref<10240x128xf32, #tpu.memory_space<vmem_shared>>
          tpu.wait_indirect_dma semaphore(%run_scoped3A : memref<!tpu.dma_semaphore, #tpu.memory_space<semaphore_mem>>) src(%arg11 : memref<128x128xf32, #tpu.memory_space<vmem>>) dst(%dma_wait3A_37 : memref<10240x128xf32, #tpu.memory_space<vmem_shared>>)
          tpu.yield
        }) : () -> ()
      }
      %scan3A_12 = arith.constant 157 : i32
      %barrier3A_13 = arith.constant 0 : index
      tpu.barrier barrier_id(%barrier3A_13)
      %mul3A_14 = arith.constant 624 : i32
      %mul3A_15 = arith.muli %arg1, %mul3A_14 : i32
      %mul3A_16 = arith.constant 624 : i32
      %mul3A_17 = arith.muli %arg1, %mul3A_16 : i32
      "tpu.region"() ({
        %run_scoped3A = tpu.sem_alloc : memref<!tpu.dma_semaphore, #tpu.memory_space<semaphore_mem>>
        %dma_start3A = arith.constant 0 : i32
        %dma_start3A_23 = tpu.memref_slice %arg8[%mul3A_17, %dma_start3A] : memref<10000x128xf32, #tpu.memory_space<hbm>> -> memref<624x128xf32, #tpu.memory_space<hbm>>
        %dma_start3A_24 = arith.constant 0 : i32
        %dma_start3A_25 = tpu.memref_slice %arg12[%mul3A_15, %dma_start3A_24] : memref<10240x128xf32, #tpu.memory_space<vmem_shared>> -> memref<624x128xf32, #tpu.memory_space<vmem_shared>>
        tpu.enqueue_dma source(%dma_start3A_25 : memref<624x128xf32, #tpu.memory_space<vmem_shared>>) target(%dma_start3A_23 : memref<624x128xf32, #tpu.memory_space<hbm>>) target_semaphore(%run_scoped3A : memref<!tpu.dma_semaphore, #tpu.memory_space<semaphore_mem>>)
        %dma_wait3A = arith.constant 0 : i32
        %dma_wait3A_26 = tpu.memref_slice %arg8[%mul3A_17, %dma_wait3A] : memref<10000x128xf32, #tpu.memory_space<hbm>> -> memref<624x128xf32, #tpu.memory_space<hbm>>
        %dma_wait3A_27 = arith.constant 0 : i32
        %dma_wait3A_28 = tpu.memref_slice %arg12[%mul3A_15, %dma_wait3A_27] : memref<10240x128xf32, #tpu.memory_space<vmem_shared>> -> memref<624x128xf32, #tpu.memory_space<vmem_shared>>
        tpu.wait_dma2 semaphore(%run_scoped3A : memref<!tpu.dma_semaphore, #tpu.memory_space<semaphore_mem>>) src(%dma_wait3A_28 : memref<624x128xf32, #tpu.memory_space<vmem_shared>>) dst(%dma_wait3A_26 : memref<624x128xf32, #tpu.memory_space<hbm>>)
        tpu.yield
      }) : () -> ()
      %eq3A_18 = arith.constant 15 : i32
      %eq3A_19 = arith.cmpi eq, %arg1, %eq3A_18 : i32
      %convert_element_type3A_20 = arith.extui %eq3A_19 : i1 to i32
      %cond3A_21 = arith.constant 0 : i32
      %cond3A_22 = arith.cmpi ne, %convert_element_type3A_20, %cond3A_21 : i32
      scf.if %cond3A_22 {
        "tpu.region"() ({
          %run_scoped3A = tpu.sem_alloc : memref<!tpu.dma_semaphore, #tpu.memory_space<semaphore_mem>>
          %dma_start3A = arith.constant 9984 : i32
          %dma_start3A_23 = arith.constant 0 : i32
          %dma_start3A_24 = tpu.memref_slice %arg8[%dma_start3A, %dma_start3A_23] : memref<10000x128xf32, #tpu.memory_space<hbm>> -> memref<16x128xf32, #tpu.memory_space<hbm>>
          %dma_start3A_25 = arith.constant 9984 : i32
          %dma_start3A_26 = arith.constant 0 : i32
          %dma_start3A_27 = tpu.memref_slice %arg12[%dma_start3A_25, %dma_start3A_26] : memref<10240x128xf32, #tpu.memory_space<vmem_shared>> -> memref<16x128xf32, #tpu.memory_space<vmem_shared>>
          tpu.enqueue_dma source(%dma_start3A_27 : memref<16x128xf32, #tpu.memory_space<vmem_shared>>) target(%dma_start3A_24 : memref<16x128xf32, #tpu.memory_space<hbm>>) target_semaphore(%run_scoped3A : memref<!tpu.dma_semaphore, #tpu.memory_space<semaphore_mem>>)
          %dma_wait3A = arith.constant 9984 : i32
          %dma_wait3A_28 = arith.constant 0 : i32
          %dma_wait3A_29 = tpu.memref_slice %arg8[%dma_wait3A, %dma_wait3A_28] : memref<10000x128xf32, #tpu.memory_space<hbm>> -> memref<16x128xf32, #tpu.memory_space<hbm>>
          %dma_wait3A_30 = arith.constant 9984 : i32
          %dma_wait3A_31 = arith.constant 0 : i32
          %dma_wait3A_32 = tpu.memref_slice %arg12[%dma_wait3A_30, %dma_wait3A_31] : memref<10240x128xf32, #tpu.memory_space<vmem_shared>> -> memref<16x128xf32, #tpu.memory_space<vmem_shared>>
          tpu.wait_dma2 semaphore(%run_scoped3A : memref<!tpu.dma_semaphore, #tpu.memory_space<semaphore_mem>>) src(%dma_wait3A_32 : memref<16x128xf32, #tpu.memory_space<vmem_shared>>) dst(%dma_wait3A_29 : memref<16x128xf32, #tpu.memory_space<hbm>>)
          tpu.yield
        }) : () -> ()
      } else {
      }
    } else {
    }
    return
  }
}

module attributes {stable_mosaic.version = 14 : i64} {
  func.func @_lstm_body(%arg0: i32, %arg1: memref<2000x128xf32, #tpu.memory_space<vmem>>, %arg2: memref<2000x128xf32, #tpu.memory_space<vmem>>, %arg3: memref<2000x128xf32, #tpu.memory_space<vmem>>, %arg4: memref<128x512xf32, #tpu.memory_space<vmem>>, %arg5: memref<128x512xf32, #tpu.memory_space<vmem>>, %arg6: memref<1x512xf32, #tpu.memory_space<vmem>>, %arg7: memref<2000x128xf32, #tpu.memory_space<vmem>>, %arg8: memref<2000x128xf32, #tpu.memory_space<vmem>>) attributes {dimension_semantics = [#tpu.dimension_semantics<arbitrary>], iteration_bounds = array<i64: 5>, scalar_prefetch = 0 : i64, scratch_operands = 0 : i64, tpu.core_type = #tpu.core_type<tc>, window_params = [{transform_indices = @transform_0, window_bounds = array<i64: 2000, 128>}, {transform_indices = @transform_1, window_bounds = array<i64: 2000, 128>}, {transform_indices = @transform_2, window_bounds = array<i64: 2000, 128>}, {pipeline_mode = #tpu.pipeline_mode<synchronous>, transform_indices = @transform_3, window_bounds = array<i64: 128, 512>}, {pipeline_mode = #tpu.pipeline_mode<synchronous>, transform_indices = @transform_4, window_bounds = array<i64: 128, 512>}, {pipeline_mode = #tpu.pipeline_mode<synchronous>, transform_indices = @transform_5, window_bounds = array<i64: 1, 512>}, {transform_indices = @transform_6, window_bounds = array<i64: 2000, 128>}, {transform_indices = @transform_7, window_bounds = array<i64: 2000, 128>}]} {
    %get3A = arith.constant 0 : index
    %get3A_0 = arith.constant 0 : index
    %get3A_1 = vector.load %arg1[%get3A, %get3A_0] : memref<2000x128xf32, #tpu.memory_space<vmem>>, vector<2000x128xf32>
    %get3A_2 = arith.constant 0 : index
    %get3A_3 = arith.constant 0 : index
    %get3A_4 = vector.load %arg4[%get3A_2, %get3A_3] : memref<128x512xf32, #tpu.memory_space<vmem>>, vector<128x512xf32>
    %dot_general3A = arith.constant dense<0.000000e+00> : vector<2000x512xf32>
    %dot_general3A_5 = tpu.matmul %get3A_1, %get3A_4, %dot_general3A {dimension_numbers = #tpu.dot_dimension_numbers<[1], [0], [0], [1], [0, 0, 1, 1], [], []>, transpose_lhs_hint = false} : vector<2000x128xf32>, vector<128x512xf32>, vector<2000x512xf32> -> vector<2000x512xf32>
    %get3A_6 = arith.constant 0 : index
    %get3A_7 = arith.constant 0 : index
    %get3A_8 = vector.load %arg2[%get3A_6, %get3A_7] : memref<2000x128xf32, #tpu.memory_space<vmem>>, vector<2000x128xf32>
    %get3A_9 = arith.constant 0 : index
    %get3A_10 = arith.constant 0 : index
    %get3A_11 = vector.load %arg5[%get3A_9, %get3A_10] : memref<128x512xf32, #tpu.memory_space<vmem>>, vector<128x512xf32>
    %dot_general3A_12 = arith.constant dense<0.000000e+00> : vector<2000x512xf32>
    %dot_general3A_13 = tpu.matmul %get3A_8, %get3A_11, %dot_general3A_12 {dimension_numbers = #tpu.dot_dimension_numbers<[1], [0], [0], [1], [0, 0, 1, 1], [], []>, transpose_lhs_hint = false} : vector<2000x128xf32>, vector<128x512xf32>, vector<2000x512xf32> -> vector<2000x512xf32>
    %add3A = arith.addf %dot_general3A_5, %dot_general3A_13 : vector<2000x512xf32>
    %get3A_14 = arith.constant 0 : index
    %get3A_15 = arith.constant 0 : index
    %get3A_16 = vector.load %arg6[%get3A_14, %get3A_15] : memref<1x512xf32, #tpu.memory_space<vmem>>, vector<1x512xf32>
    %add3A_17 = vector.broadcast %get3A_16 : vector<1x512xf32> to vector<2000x512xf32>
    %add3A_18 = arith.addf %add3A, %add3A_17 : vector<2000x512xf32>
    %slice3A = vector.extract_strided_slice %add3A_18 {offsets = [0, 0], sizes = [2000, 128], strides = [1, 1]} : vector<2000x512xf32> to vector<2000x128xf32>
    %logistic3A = arith.negf %slice3A : vector<2000x128xf32>
    %logistic3A_19 = math.exp %logistic3A : vector<2000x128xf32>
    %logistic3A_20 = arith.constant 1.000000e+00 : f32
    %logistic3A_21 = vector.broadcast %logistic3A_20 : f32 to vector<2000x128xf32>
    %logistic3A_22 = arith.addf %logistic3A_21, %logistic3A_19 : vector<2000x128xf32>
    %logistic3A_23 = arith.divf %logistic3A_21, %logistic3A_22 : vector<2000x128xf32>
    %slice3A_24 = vector.extract_strided_slice %add3A_18 {offsets = [0, 128], sizes = [2000, 128], strides = [1, 1]} : vector<2000x512xf32> to vector<2000x128xf32>
    %logistic3A_25 = arith.negf %slice3A_24 : vector<2000x128xf32>
    %logistic3A_26 = math.exp %logistic3A_25 : vector<2000x128xf32>
    %logistic3A_27 = arith.constant 1.000000e+00 : f32
    %logistic3A_28 = vector.broadcast %logistic3A_27 : f32 to vector<2000x128xf32>
    %logistic3A_29 = arith.addf %logistic3A_28, %logistic3A_26 : vector<2000x128xf32>
    %logistic3A_30 = arith.divf %logistic3A_28, %logistic3A_29 : vector<2000x128xf32>
    %slice3A_31 = vector.extract_strided_slice %add3A_18 {offsets = [0, 256], sizes = [2000, 128], strides = [1, 1]} : vector<2000x512xf32> to vector<2000x128xf32>
    %tanh3A = math.tanh %slice3A_31 : vector<2000x128xf32>
    %slice3A_32 = vector.extract_strided_slice %add3A_18 {offsets = [0, 384], sizes = [2000, 128], strides = [1, 1]} : vector<2000x512xf32> to vector<2000x128xf32>
    %logistic3A_33 = arith.negf %slice3A_32 : vector<2000x128xf32>
    %logistic3A_34 = math.exp %logistic3A_33 : vector<2000x128xf32>
    %logistic3A_35 = arith.constant 1.000000e+00 : f32
    %logistic3A_36 = vector.broadcast %logistic3A_35 : f32 to vector<2000x128xf32>
    %logistic3A_37 = arith.addf %logistic3A_36, %logistic3A_34 : vector<2000x128xf32>
    %logistic3A_38 = arith.divf %logistic3A_36, %logistic3A_37 : vector<2000x128xf32>
    %mul3A = arith.mulf %logistic3A_23, %tanh3A : vector<2000x128xf32>
    %get3A_39 = arith.constant 0 : index
    %get3A_40 = arith.constant 0 : index
    %get3A_41 = vector.load %arg3[%get3A_39, %get3A_40] : memref<2000x128xf32, #tpu.memory_space<vmem>>, vector<2000x128xf32>
    %mul3A_42 = arith.mulf %logistic3A_38, %get3A_41 : vector<2000x128xf32>
    %add3A_43 = arith.addf %mul3A, %mul3A_42 : vector<2000x128xf32>
    %swap3A = arith.constant 0 : index
    %swap3A_44 = arith.constant 0 : index
    %swap3A_45 = vector.load %arg8[%swap3A, %swap3A_44] : memref<2000x128xf32, #tpu.memory_space<vmem>>, vector<2000x128xf32>
    tpu.vector_store %arg8[%swap3A, %swap3A_44], %add3A_43 {strides = array<i32>} : memref<2000x128xf32, #tpu.memory_space<vmem>>, vector<2000x128xf32>,
    %tanh3A_46 = math.tanh %add3A_43 : vector<2000x128xf32>
    %mul3A_47 = arith.mulf %logistic3A_30, %tanh3A_46 : vector<2000x128xf32>
    %swap3A_48 = arith.constant 0 : index
    %swap3A_49 = arith.constant 0 : index
    %swap3A_50 = vector.load %arg7[%swap3A_48, %swap3A_49] : memref<2000x128xf32, #tpu.memory_space<vmem>>, vector<2000x128xf32>
    tpu.vector_store %arg7[%swap3A_48, %swap3A_49], %mul3A_47 {strides = array<i32>} : memref<2000x128xf32, #tpu.memory_space<vmem>>, vector<2000x128xf32>,
    return
  }
  func.func @transform_0(%arg0: i32) -> (i32, i32) {
    %c0_i32 = arith.constant 0 : i32
    %c0_i32_0 = arith.constant 0 : i32
    return %arg0, %c0_i32 : i32, i32
  }
  func.func @transform_1(%arg0: i32) -> (i32, i32) {
    %c0_i32 = arith.constant 0 : i32
    %c0_i32_0 = arith.constant 0 : i32
    return %arg0, %c0_i32 : i32, i32
  }
  func.func @transform_2(%arg0: i32) -> (i32, i32) {
    %c0_i32 = arith.constant 0 : i32
    %c0_i32_0 = arith.constant 0 : i32
    return %arg0, %c0_i32 : i32, i32
  }
  func.func @transform_3(%arg0: i32) -> (i32, i32) {
    %c0_i32 = arith.constant 0 : i32
    %c0_i32_0 = arith.constant 0 : i32
    %c0_i32_1 = arith.constant 0 : i32
    return %c0_i32, %c0_i32_0 : i32, i32
  }
  func.func @transform_4(%arg0: i32) -> (i32, i32) {
    %c0_i32 = arith.constant 0 : i32
    %c0_i32_0 = arith.constant 0 : i32
    %c0_i32_1 = arith.constant 0 : i32
    return %c0_i32, %c0_i32_0 : i32, i32
  }
  func.func @transform_5(%arg0: i32) -> (i32, i32) {
    %c0_i32 = arith.constant 0 : i32
    %c0_i32_0 = arith.constant 0 : i32
    %c0_i32_1 = arith.constant 0 : i32
    return %c0_i32, %c0_i32_0 : i32, i32
  }
  func.func @transform_6(%arg0: i32) -> (i32, i32) {
    %c0_i32 = arith.constant 0 : i32
    %c0_i32_0 = arith.constant 0 : i32
    return %arg0, %c0_i32 : i32, i32
  }
  func.func @transform_7(%arg0: i32) -> (i32, i32) {
    %c0_i32 = arith.constant 0 : i32
    %c0_i32_0 = arith.constant 0 : i32
    return %arg0, %c0_i32 : i32, i32
  }
}

</mosaic_0001>

<sc_bundles>
// kernel: kernel.4.cloned.1.call-start
scs
__scs_entry_jumppad:
0x0: {  	(pc) =	sbr.rel $0x88, $3  }
0x1: {  	(tag) =	ssettag $0x0;
	lr =	simm.s32 $0x1  }
0x2: {  	[smem:$0x3F99] =	sst lr;
	_ =	strace $0xD0000000  }
0x3: {  	_ = 	snop  }
0x4: {  	_ = 	snop  }
0x5: {  	_ = 	snop  }
0x6: {  	_ = 	snop  }
0x7: {  	_ = 	snop  }
__scs_overlays_trampoline_lowered:
0x8: {  	[smem:$0x3FA8] =	sst s0  }
0x9: {  	[smem:$0x3FA9] =	sst s1  }
0xa: {  	[smem:$0x3FAA] =	sst s2  }
0xb: {  	[smem:$0x3FAB] =	sst s3  }
0xc: {  	[smem:$0x3FAC] =	sst s4  }
0xd: {  	[smem:$0x3FAD] =	sst s5  }
0xe: {  	[smem:$0x3FAE] =	sst s6  }
0xf: {  	[smem:$0x3FAF] =	sst s7  }
0x10: {  	[smem:$0x3FB0] =	sst s8  }
0x11: {  	[smem:$0x3FB1] =	sst s9;
	s0 =	simm.s32 @!p0 $0x0  }
0x12: {  	s1 =	sld [smem:$0x3F97];
	s0 =	simm.s32 @p0 $0x1  }
0x13: {  	[smem:$0x3FB2] =	sst s0;
	s0 =	simm.s32 @!p1 $0x0  }
0x14: {  	s2 =	sld [smem:$0x3F96];
	s0 =	simm.s32 @p1 $0x1  }
0x15: {  	[smem:$0x3FB3] =	sst s0;
	s0 =	simm.s32 @!p2 $0x0  }
0x16: {  	s3 =	sld [smem:$0x3FDB];
	s0 =	simm.s32 @p2 $0x1  }
0x17: {  	s4 =	simm.s32 $0x1BF5;
	[smem:$0x3FB5] =	sst s0  }
0x18: {  	s0 =	sld [smem:$0x3F98];
	_ =	swait.ge [sflag:s4], $0x0  }
0x19: {  	s7 =	sld [smem:$0x3F99]  }
0x1a: {  	s8 =	sadd.s32 $0xFFFFE003, lr  }
0x1b: {  	s9 =	sadd.s32 $0xFFFFFEF7, lr;
	s5 =	simm.s32 $0xFFFFFFFF;
	p2 =	slt.u32 s8, $0xFFFFF086  }
0x1c: {  	p1 =	slt.u32 s9, $0xF7A;
	s5 =	simm.s32 @!p2 $0x0  }
0x1d: {  	s5 =	simm.s32 @p1 $0x1;
	p0 =	seq.s32 s7, s2  }
0x1e: {  	s7 =	smul.u32 @!p0 $0xF7A, s2;
	p2 =	seq.s32 @!p0 s5, $0x0  }
0x1f: {  	s9 =	smul.u32 $0xF7A, s1;
	s8 =	simm.s32 @!p0 $0x1BF5;
	p2 =	por !p2, p0  }
0x20: {  	[sflag:s8] =	ssyncset.s32 @!p0 $0xFFFFF086;
	s6 =	sadd.s32 @!p0 s3, s7;
	s7 =	simm.s32 @!p0 $0x108  }
0x21: {  	s3 =	sadd.s32 s3, s9;
	s6 =	sadd.s32 @!p0 $0x88, s6;
	s7 =	simm.s32 @p2 $0x1082  }
0x22: {  	[simem:s7], [sflag:s8] =	dma.local @!p0 [hbm:s6], $0xF7A  }
0x23: {  	s9 =	sor.u32 $0xD0000000, s2;
	s6 =	simm.s32 $0x108;
	_ =	swait.ge @!p0 [sflag:s8], $0x0  }
0x24: {  	s3 =	sadd.s32 $0x88, s3;
	s6 =	simm.s32 @!p1 $0x1082;
	[sflag:s4] =	ssyncset.s32 $0xFFFFF086  }
0x25: {  	[simem:s6], [sflag:s4] =	dma.local [hbm:s3], $0xF7A  }
0x26: {  	[smem:$0x3F99] =	sst s1;
	(tag) =	ssettag s2;
	_ =	strace s9  }
0x27: {  	s1 =	sld [smem:$0x3FA9]  }
0x28: {  	s2 =	sld [smem:$0x3FAA]  }
0x29: {  	s4 =	sld [smem:$0x3FAC]  }
0x2a: {  	p0 =	seq.s32 s5, $0x0;
	s5 =	sld [smem:$0x3FAD]  }
0x2b: {  	s6 =	sld [smem:$0x3FAE]  }
0x2c: {  	s7 =	sld [smem:$0x3FAF]  }
0x2d: {  	s3 =	simm.s32 $0x108;
	s8 =	sld [smem:$0x3FB0]  }
0x2e: {  	s3 =	simm.s32 @!p0 $0x1082;
	s9 =	sld [smem:$0x3FB1]  }
0x2f: {  	lr =	sadd.s32 s0, s3;
	s0 =	sld [smem:$0x3FA8]  }
0x30: {  	s3 =	sld [smem:$0x3FAB]  }
0x31: {  	[smem:$0x3FB4] =	sst s10  }
0x32: {  	s10 =	sld [smem:$0x3FB2];
	_ =	sdelay $0x3  }
0x33: {  	p0 =	seq.s32 s10, $0x1;
	s10 =	sld [smem:$0x3FB4];
	_ =	sdelay $0x3  }
0x34: {  	[smem:$0x3FB4] =	sst s10  }
0x35: {  	s10 =	sld [smem:$0x3FB3];
	_ =	sdelay $0x3  }
0x36: {  	p1 =	seq.s32 s10, $0x1;
	s10 =	sld [smem:$0x3FB4];
	_ =	sdelay $0x3  }
0x37: {  	[smem:$0x3FB4] =	sst s10  }
0x38: {  	s10 =	sld [smem:$0x3FB5]  }
0x39: {  	_ = 	snop;
	(pc) =	sbr.ind lr, $3  }
0x3a: {  	_ = 	snop  }
0x3b: {  	_ = 	snop  }
0x3c: {  	p2 =	seq.s32 s10, $0x1;
	s10 =	sld [smem:$0x3FB4]  }
0x3d: {  	_ =	shalt  }
0x3e: {  	_ =	shalt  }
0x3f: {  	_ =	shalt  }
0x40: {  	_ =	shalt  }
0x41: {  	_ =	shalt  }
0x42: {  	_ =	shalt  }
0x43: {  	_ =	shalt  }
0x44: {  	_ =	shalt  }
0x45: {  	_ =	shalt  }
0x46: {  	_ =	shalt  }
0x47: {  	_ =	shalt  }
0x48: {  	_ =	shalt  }
0x49: {  	_ =	shalt  }
0x4a: {  	_ =	shalt  }
0x4b: {  	_ =	shalt  }
0x4c: {  	_ =	shalt  }
0x4d: {  	_ =	shalt  }
0x4e: {  	_ =	shalt  }
0x4f: {  	_ =	shalt  }
0x50: {  	_ =	shalt  }
0x51: {  	_ =	shalt  }
0x52: {  	_ =	shalt  }
0x53: {  	_ =	shalt  }
0x54: {  	_ =	shalt  }
0x55: {  	_ =	shalt  }
0x56: {  	_ =	shalt  }
0x57: {  	_ =	shalt  }
0x58: {  	_ =	shalt  }
0x59: {  	_ =	shalt  }
0x5a: {  	_ =	shalt  }
0x5b: {  	_ =	shalt  }
0x5c: {  	_ =	shalt  }
0x5d: {  	_ =	shalt  }
0x5e: {  	_ =	shalt  }
0x5f: {  	_ =	shalt  }
0x60: {  	_ =	shalt  }
0x61: {  	_ =	shalt  }
0x62: {  	_ =	shalt  }
0x63: {  	_ =	shalt  }
0x64: {  	_ =	shalt  }
0x65: {  	_ =	shalt  }
0x66: {  	_ =	shalt  }
0x67: {  	_ =	shalt  }
0x68: {  	_ =	shalt  }
0x69: {  	_ =	shalt  }
0x6a: {  	_ =	shalt  }
0x6b: {  	_ =	shalt  }
0x6c: {  	_ =	shalt  }
0x6d: {  	_ =	shalt  }
0x6e: {  	_ =	shalt  }
0x6f: {  	_ =	shalt  }
0x70: {  	_ =	shalt  }
0x71: {  	_ =	shalt  }
0x72: {  	_ =	shalt  }
0x73: {  	_ =	shalt  }
0x74: {  	_ =	shalt  }
0x75: {  	_ =	shalt  }
0x76: {  	_ =	shalt  }
0x77: {  	_ =	shalt  }
0x78: {  	_ =	shalt  }
0x79: {  	_ =	shalt  }
0x7a: {  	_ =	shalt  }
0x7b: {  	_ =	shalt  }
0x7c: {  	_ =	shalt  }
0x7d: {  	_ =	shalt  }
0x7e: {  	_ =	shalt  }
0x7f: {  	_ =	shalt  }
0x80: {  	_ =	shalt  }
0x81: {  	_ =	shalt  }
0x82: {  	_ =	shalt  }
0x83: {  	_ =	shalt  }
0x84: {  	_ =	shalt  }
0x85: {  	_ =	shalt  }
0x86: {  	_ =	shalt  }
0x87: {  	_ =	shalt  }
.Lfunc_end0:
.L_simem_size_0:
called_computation_lowered:
.L_overlay_start_0:
0x88: {  	s2 =	sld [smem:$0x3FD9]  }
0x89: {  	s3 =	sld [smem:$0x3FFE];
	_ =	sdelay $0x1  }
0x8a: {  	s1 =	srdreg.scid  }
0x8b: {  	s0 =	sand.u32 $0x1, s1  }
0x8c: {  	s14 =	sshll.u32 s0, $0xA;
	s2 =	sadd.s32 s3, s2  }
0x8d: {  	s2 =	sadd.s32 s2, s14  }
0x8e: {  	[smem:$0x3FC0] =	sst s2  }
0x8f: {  	_ = 	snop  }
0x90: {  	s2 =	sld [smem:$0x3FD0];
	_ =	sdelay $0x1  }
0x91: {  	s15 =	sld [smem:$0x3FC8]  }
0x92: {  	s5 =	simm.s32 $0xA;
	s6 =	simm.s32 $0x10;
	s4 =	sld [smem:$0x3FC7]  }
0x93: {  	[smem:s6], [sflag:s5] =	dma.local [hbm:s2], $0x1  }
0x94: {  	_ =	swait.eq [sflag:s5], $0x1  }
0x95: {  	[sflag:s5] =	ssyncset.done $0x0  }
0x96: {  	s16 =	sld [smem:$0x10];
	[sflag:s5] =	ssyncadd.s32 $0xFFFFFFFF  }
0x97: {  	s17 =	sld [smem:$0x11];
	(tm) =	ssettm $0x1  }
0x98: {  	s18 =	sld [smem:$0x3FFB];
	_ =	sdelay $0x3  }
0x99: {  	_ =	strace s18  }
0x9a: {  	s6 =	sld [smem:$0x3FFC];
	_ =	sdelay $0x3  }
0x9b: {  	_ =	strace s6  }
0x9c: {  	s6 =	sld [smem:$0x3FFD];
	_ =	sdelay $0x3  }
0x9d: {  	_ =	strace s6  }
0x9e: {  	_ =	strace $0x8FFFFFFF  }
0x9f: {  	s19 =	sld [smem:$0x3FDB];
	_ =	sdelay $0x1  }
0xa0: {  	s7 =	simm.s32 $_scs_section_size  }
0xa1: {  	s8 =	simm.s32 $_size__tile_overlayer_lowered;
	s9 =	simm.s32 $_tile_overlayer_lowered  }
0xa2: {  	s22 =	simm.s32 $0x1BFF;
	s21 =	sshll.u32 s9, $0x1;
	s6 =	sadd.s32 s7, s19  }
0xa3: {  	s10 =	simm.s32 $0x0;
	s20 =	sshll.u32 s8, $0x1;
	s8 =	sadd.s32 s21, s6  }
0xa4: {  	[timem:s10], [sflag:s22] =	dma.local [hbm:s8], s20  }
0xa5: {  	_ =	swait.ge [sflag:s22], s20  }
0xa6: {  	s7 =	ssub.s32 $0x0, s20;
	[sflag:s22] =	ssyncset.done $0x0  }
0xa7: {  	[sflag:s22] =	ssyncadd.s32 s7;
	_ =	sdelay $0x1  }
0xa8: {  	s23 =	simm.s32 $0x1B8B  }
0xa9: {  	_ =	swait.ge [sflag:s23], $0x1  }
0xaa: {  	[sflag:s23] =	ssyncset.done $0x0  }
0xab: {  	s25 =	simm.s32 $0x1B8E;
	s24 =	sld [smem:$0x3FFE];
	[sflag:s23] =	ssyncadd.s32 $0xFFFFFFFF  }
0xac: {  	s26 =	simm.s32 $execute0_lowered;
	[smem:$0x3FD2] =	sst s25  }
0xad: {  	s8 =	sshll.u32 s26, $0x1;
	_ =	strace $0x80000046;
	[dreg:$0x1] =	wrdreg $0xFFFFFFFF  }
0xae: {  	s28 =	simm.s32 $_size_execute0_lowered;
	s6 =	sadd.s32 s6, s8;
	[dreg:$0x0] =	wrdreg $0x0  }
0xaf: {  	s8 =	sshll.u32 s28, $0x1;
	[dreg:$0x2] =	wrdreg s6  }
0xb0: {  	[dreg:$0x3] =	wrdreg s8  }
0xb1: {  	[dreg:$0x4] =	wrdreg $0xC0  }
0xb2: {  	_ =	task [dreg:s10], $0x5FFFF  }
0xb3: {  	[dreg:$0x1] =	wrdreg $0xFFFFFFFF  }
0xb4: {  	[dreg:$0x0] =	wrdreg $0x60  }
0xb5: {  	[dreg:$0x2] =	wrdreg s15  }
0xb6: {  	[dreg:$0x3] =	wrdreg s4  }
0xb7: {  	[dreg:$0x4] =	wrdreg s24  }
0xb8: {  	[dreg:$0x5] =	wrdreg s17  }
0xb9: {  	[dreg:$0x6] =	wrdreg s16  }
0xba: {  	[dreg:$0x7] =	wrdreg $0x41000  }
0xbb: {  	[dreg:$0x8] =	wrdreg $0x9  }
0xbc: {  	_ =	task.clear_ibuf [dreg:s10], $0x9FFFF;
	_ =	strace $0x90000046  }
0xbd: {  	s29 =	simm.s32 $0x9;
	_ =	strace $0x80000048  }
0xbe: {  	_ =	swait.ge [sflag:s29], $0x1  }
0xbf: {  	[sflag:s29] =	ssyncadd.s32 $0xFFFFFFFF  }
0xc0: {  	_ =	strace $0x90000048  }
0xc1: {  	_ =	sfence  }
0xc2: {  	s30 =	sld [smem:$0x0];
	_ =	sdelay $0x2  }
0xc3: {  	s31 =	sshll.u32 s1, $0xD;
	s1 =	sshrl.u32 s1, $0x2  }
0xc4: {  	s3 =	sand.u32 $0x4000, s31;
	s1 =	sadd.s32 s1, s30  }
0xc5: {  	s0 =	sor.u32 s3, s0;
	s1 =	sshll.u32 s1, $0x11  }
0xc6: {  	s0 =	sor.u32 s1, s0  }
0xc7: {  	s0 =	sadd.s32 $0x8F2B, s0  }
0xc8: {  	[sflag:s0] =	ssyncadd.remote.s32 $0x1  }
0xc9: {  	_ =	sfence.sel $0xFFFF  }
0xca: {  	[dreg:$0x0] =	wrdreg $0xFFFFFFFF;
	(pc) =	sbr.abs _section_cstart, $3  }
0xcb: {  	[dreg:$0x1] =	wrdreg $0xFFFFFFFF  }
0xcc: {  	_ =	task.clear_ibuf [dreg:s10], $0x2FFFF;
	_ =	strace $0x9FFFFFFF  }
0xcd: {  	(tm) =	ssettm $0x7FFFFFFF  }
tec
execute0_lowered:
.L_overlay_start_1:
0x0: {  	(tag) =	ssettag $0x1  }
0x1: {  	s1 =	rddreg [dreg:$0x0]  }
0x2: {  	s2 =	rddreg [dreg:$0x1]  }
0x3: {  	s8 =	rddreg [dreg:$0x2]  }
0x4: {  	s3 =	rddreg [dreg:$0x3]  }
0x5: {  	s5 =	rddreg [dreg:$0x4]  }
0x6: {  	s6 =	rddreg [dreg:$0x5]  }
0x7: {  	s0 =	rddreg [dreg:$0x6]  }
0x8: {  	s7 =	simm.s32 $0x0;
	s4 =	stileid.u32;
	s9 =	srdreg.scid  }
0x9: {  	s17 =	simm.s32 $0x80;
	s18 =	simm.s32 $0x100;
	s10 =	smul.u32 $0x9D0, s4  }
0xa: {  	s19 =	simm.s32 $0x1;
	s22 =	simm.s32 $0x0;
	s12 =	smul.u32 $0x50000, s4  }
0xb: {  	[smem:$0x7FF] =	sst s7;
	s11 =	sand.u32 $0x1, s9;
	s29 =	smul.u32 $0x4E000, s4  }
0xc: {  	s31 =	sshll.u32 s4, $0x6;
	s15 =	smul.u32 $0x2700, s4;
	s21 =	sadd.s32 $0x138000, s6  }
0xd: {  	p1 =	sne.s32 s4, $0xF;
	p2 =	seq.s32 s4, $0xF;
	_ =	strace $0x80000047  }
0xe: {  	s9 =	ssub.s32 $0x2, s11;
	p0 =	seq.s32 s11, $0x1;
	s21 =	sshrl.u32 s21, $0x3  }
0xf: {  	s14 =	sadd.s32 s10, s8;
	s28 =	sshrl.u32 s9, $0x1;
	s8 =	sadd.s32 $0x15000, s8  }
.Ltmp0:
0x10: {  	s30 =	sshrl.u32 s12, $0x2;
	s10 =	sshrl.u32 s29, $0x2;
	(pc) =	sbr.rel .LBB2_1-.Ltmp0, $4  }
0x11: {  	s11 =	sadd.s32 s5, s15;
	s13 =	ssub.s32 s9, s28;
	s16 =	sadd.s32 s30, s6  }
0x12: {  	s9 =	sor.u32 $0x1C02, s31;
	s20 =	sadd.s32 s10, s6;
	s10 =	sadd.s32 s3, s15  }
0x13: {  	s12 =	smax.u32 s13, $0x1;
	s13 =	sadd.s32 $0x1400, s14;
	s14 =	sadd.s32 $0xB200, s14  }
0x14: {  	s15 =	sshrl.u32 s16, $0x3;
	s16 =	simm.s32 $0x2;
	s20 =	sshrl.u32 s20, $0x3  }
.LBB2_8:
0x15: {  	s23 =	sadd.s32 $0x27000, s23  }
0x16: {  	[hbm:s23], [sflag:s9] =	dma.local [spmem:s21], $0x100  }
0x17: {  	_ =	swait.ge [sflag:s16], $0x100  }
0x18: {  	[sflag:s16] =	ssyncset.done $0x0  }
0x19: {  	[sflag:s16] =	ssyncadd.s32 $0xFFFFFF00  }
.LBB2_9:
0x1a: {  	s22 =	sadd.s32 $0x1, s22  }
0x1b: {  	p3 =	sne.s32 s22, s12  }
.Ltmp1:
0x1c: {  	_ = 	snop;
	(pc) =	sbr.rel @!p3 .LBB2_10-.Ltmp1, $1  }
0x1d: {  	_ =	sdelay $0x3  }
.LBB2_1:
0x1e: {  	[spmem:s15], [sflag:s9] =	dma.local [hbm:s8], $0x2800  }
.Ltmp2:
0x1f: {  	_ =	swait.ge [sflag:s16], $0x2800;
	(pc) =	sbr.rel @!p0 .LBB2_2-.Ltmp2, $4  }
0x20: {  	[sflag:s16] =	ssyncset.done $0x0  }
0x21: {  	[sflag:s16] =	ssyncadd.s32 $0xFFFFD800  }
0x22: {  	[bflag:$0x0] =	sbarrier.arrive $0xFFFF  }
0x23: {  	s23 =	sadd.s32 $0x0, s14  }
0x24: {  	[tilespmem:s7], [sflag:$0x2] =	stream.linear.gather [hbm4b:s23+s7], $0x80, $0x38;
	[tilespmem:$0x18100] =	vst v63  }
0x25: {  	_ =	swait.ge [sflag:s16], $0x80  }
0x26: {  	[sflag:s16] =	ssyncset.done $0x0  }
0x27: {  	s31 =	sadd.s32 $0x0, s13;
	[sflag:s16] =	ssyncadd.s32 $0xFFFFFF80  }
0x28: {  	[tilespmem:s17], [sflag:$0x2] =	stream.linear.gather [hbm4b:s31+s7], $0x80, $0x38;
	[tilespmem:$0x18100] =	vst v63  }
0x29: {  	_ =	swait.ge [sflag:s16], $0x80  }
0x2a: {  	[sflag:s16] =	ssyncset.done $0x0  }
0x2b: {  	[sflag:s16] =	ssyncadd.s32 $0xFFFFFF80  }
0x2c: {  	[tilespmem:s18], [sflag:$0x1] =	stream.indirect.gather [hbm4b:s2+s17], $0x80, s7, s17, $0xb8;
	[tilespmem:$0x18100] =	vst v63  }
0x2d: {  	_ =	swait.ge [sflag:s19], $0x4000  }
0x2e: {  	[sflag:s19] =	ssyncset.done $0x0  }
0x2f: {  	[sflag:s19] =	ssyncadd.s32 $0xFFFFC000  }
0x30: {  	[spmem:s6] =	stream.indirect.scatter.add.f32 [tilespmem:s18], [sflag:$0x2], $0x80, s17, s17, $0xb8;
	[tilespmem:$0x18100] =	vst v63  }
0x31: {  	_ =	swait.ge [sflag:s16], $0x4000  }
0x32: {  	s23 =	simm.s32 $0x10;
	s24 =	simm.s32 $0x20;
	[sflag:s16] =	ssyncset.done $0x0  }
.LBB2_6:
0x33: {  	s25 =	sadd.s32 s23, s14  }
0x34: {  	[sflag:s16] =	ssyncadd.s32 $0xFFFFC000;
	s26 =	smov.u32 s24;
	s28 =	sadd.s32 $0x10, s24  }
0x35: {  	[tilespmem:s7], [sflag:$0x2] =	stream.linear.gather [hbm4b:s25+s7], $0x80, $0x38;
	[tilespmem:$0x18100] =	vst v63  }
0x36: {  	p3 =	sne.s32 s24, $0x9C0;
	_ =	swait.ge [sflag:s16], $0x80  }
0x37: {  	[sflag:s16] =	ssyncset.done $0x0  }
0x38: {  	s24 =	sadd.s32 s23, s13;
	s23 =	smov.u32 s26;
	[sflag:s16] =	ssyncadd.s32 $0xFFFFFF80  }
0x39: {  	[tilespmem:s17], [sflag:$0x2] =	stream.linear.gather [hbm4b:s24+s7], $0x80, $0x38;
	[tilespmem:$0x18100] =	vst v63  }
0x3a: {  	_ =	swait.ge [sflag:s16], $0x80  }
0x3b: {  	[sflag:s16] =	ssyncset.done $0x0  }
0x3c: {  	[sflag:s16] =	ssyncadd.s32 $0xFFFFFF80  }
0x3d: {  	[tilespmem:s18], [sflag:$0x1] =	stream.indirect.gather [hbm4b:s2+s17], $0x80, s7, s17, $0xb8;
	[tilespmem:$0x18100] =	vst v63  }
0x3e: {  	_ =	swait.ge [sflag:s19], $0x4000  }
.Ltmp3:
0x3f: {  	[sflag:s19] =	ssyncset.done $0x0;
	(pc) =	sbr.rel @p3 .LBB2_6-.Ltmp3, $4  }
0x40: {  	[sflag:s19] =	ssyncadd.s32 $0xFFFFC000  }
0x41: {  	[spmem:s6] =	stream.indirect.scatter.add.f32 [tilespmem:s18], [sflag:$0x2], $0x80, s17, s17, $0xb8;
	[tilespmem:$0x18100] =	vst v63  }
0x42: {  	_ =	swait.ge [sflag:s16], $0x4000  }
0x43: {  	s24 =	smov.u32 s28;
	[sflag:s16] =	ssyncset.done $0x0  }
0x44: {  	s24 =	sadd.s32 s23, s14;
	[sflag:s16] =	ssyncadd.s32 $0xFFFFC000  }
0x45: {  	[tilespmem:s7], [sflag:$0x2] =	stream.linear.gather [hbm4b:s24+s7], $0x80, $0x38;
	[tilespmem:$0x18100] =	vst v63  }
0x46: {  	_ =	swait.ge [sflag:s16], $0x80  }
0x47: {  	[sflag:s16] =	ssyncset.done $0x0  }
0x48: {  	s31 =	sadd.s32 s23, s13;
	[sflag:s16] =	ssyncadd.s32 $0xFFFFFF80  }
0x49: {  	[tilespmem:s17], [sflag:$0x2] =	stream.linear.gather [hbm4b:s31+s7], $0x80, $0x38;
	[tilespmem:$0x18100] =	vst v63  }
0x4a: {  	_ =	swait.ge [sflag:s16], $0x80  }
0x4b: {  	[sflag:s16] =	ssyncset.done $0x0  }
0x4c: {  	[sflag:s16] =	ssyncadd.s32 $0xFFFFFF80  }
0x4d: {  	[tilespmem:s18], [sflag:$0x1] =	stream.indirect.gather [hbm4b:s2+s17], $0x80, s7, s17, $0xb8;
	[tilespmem:$0x18100] =	vst v63  }
0x4e: {  	_ =	swait.ge [sflag:s19], $0x4000  }
0x4f: {  	[sflag:s19] =	ssyncset.done $0x0  }
0x50: {  	[sflag:s19] =	ssyncadd.s32 $0xFFFFC000  }
0x51: {  	[spmem:s6] =	stream.indirect.scatter.add.f32 [tilespmem:s18], [sflag:$0x2], $0x80, s17, s17, $0xb8;
	[tilespmem:$0x18100] =	vst v63  }
0x52: {  	_ =	swait.ge [sflag:s16], $0x4000  }
0x53: {  	[sflag:s16] =	ssyncset.done $0x0  }
0x54: {  	[sflag:s16] =	ssyncadd.s32 $0xFFFFC000  }
0x55: {  	[bflag:$0x0] =	sbarrier.arrive $0xFFFF  }
0x56: {  	[hbm:s11], [sflag:s9] =	dma.local [spmem:s20], $0x2700  }
.Ltmp4:
0x57: {  	_ = 	snop;
	(pc) =	sbr.rel @p1 .LBB2_9-.Ltmp4, $4  }
.Ltmp5:
0x58: {  	_ = 	snop;
	(pc) =	sbr.rel @!p1 .LBB2_8-.Ltmp5, $4  }
0x59: {  	_ =	swait.ge [sflag:s16], $0x2700  }
0x5a: {  	[sflag:s16] =	ssyncset.done $0x0  }
0x5b: {  	s23 =	smov.u32 s5;
	[sflag:s16] =	ssyncadd.s32 $0xFFFFD900  }
0x5c: {  	_ = 	snop  }
.LBB2_2:
0x5d: {  	[tilespmem:s7], [sflag:$0x2] =	stream.linear.gather [hbm4b:s23+s7], $0x80, $0x38;
	[tilespmem:$0x18100] =	vst v63  }
0x5e: {  	_ =	swait.ge [sflag:s16], $0x80  }
0x5f: {  	[sflag:s16] =	ssyncset.done $0x0  }
0x60: {  	s31 =	sadd.s32 $0x0, s13;
	[sflag:s16] =	ssyncadd.s32 $0xFFFFFF80  }
0x61: {  	[tilespmem:s17], [sflag:$0x2] =	stream.linear.gather [hbm4b:s31+s7], $0x80, $0x38;
	[tilespmem:$0x18100] =	vst v63  }
0x62: {  	_ =	swait.ge [sflag:s16], $0x80  }
0x63: {  	[sflag:s16] =	ssyncset.done $0x0  }
0x64: {  	[sflag:s16] =	ssyncadd.s32 $0xFFFFFF80  }
0x65: {  	[tilespmem:s18], [sflag:$0x1] =	stream.indirect.gather [hbm4b:s1+s17], $0x80, s7, s17, $0xb8;
	[tilespmem:$0x18100] =	vst v63  }
0x66: {  	_ =	swait.ge [sflag:s19], $0x4000  }
0x67: {  	[sflag:s19] =	ssyncset.done $0x0  }
0x68: {  	[sflag:s19] =	ssyncadd.s32 $0xFFFFC000  }
0x69: {  	[spmem:s6] =	stream.indirect.scatter.add.f32 [tilespmem:s18], [sflag:$0x2], $0x80, s17, s17, $0xb8;
	[tilespmem:$0x18100] =	vst v63  }
0x6a: {  	_ =	swait.ge [sflag:s16], $0x4000  }
0x6b: {  	s23 =	simm.s32 $0x10;
	s24 =	simm.s32 $0x20;
	[sflag:s16] =	ssyncset.done $0x0  }
.LBB2_3:
0x6c: {  	s25 =	sadd.s32 s23, s14  }
0x6d: {  	[sflag:s16] =	ssyncadd.s32 $0xFFFFC000;
	s26 =	smov.u32 s24;
	s28 =	sadd.s32 $0x10, s24  }
0x6e: {  	[tilespmem:s7], [sflag:$0x2] =	stream.linear.gather [hbm4b:s25+s7], $0x80, $0x38;
	[tilespmem:$0x18100] =	vst v63  }
0x6f: {  	p3 =	sne.s32 s24, $0x9C0;
	_ =	swait.ge [sflag:s16], $0x80  }
0x70: {  	[sflag:s16] =	ssyncset.done $0x0  }
0x71: {  	s24 =	sadd.s32 s23, s13;
	s23 =	smov.u32 s26;
	[sflag:s16] =	ssyncadd.s32 $0xFFFFFF80  }
0x72: {  	[tilespmem:s17], [sflag:$0x2] =	stream.linear.gather [hbm4b:s24+s7], $0x80, $0x38;
	[tilespmem:$0x18100] =	vst v63  }
0x73: {  	_ =	swait.ge [sflag:s16], $0x80  }
0x74: {  	[sflag:s16] =	ssyncset.done $0x0  }
0x75: {  	[sflag:s16] =	ssyncadd.s32 $0xFFFFFF80  }
0x76: {  	[tilespmem:s18], [sflag:$0x1] =	stream.indirect.gather [hbm4b:s1+s17], $0x80, s7, s17, $0xb8;
	[tilespmem:$0x18100] =	vst v63  }
0x77: {  	_ =	swait.ge [sflag:s19], $0x4000  }
.Ltmp6:
0x78: {  	[sflag:s19] =	ssyncset.done $0x0;
	(pc) =	sbr.rel @p3 .LBB2_3-.Ltmp6, $4  }
0x79: {  	[sflag:s19] =	ssyncadd.s32 $0xFFFFC000  }
0x7a: {  	[spmem:s6] =	stream.indirect.scatter.add.f32 [tilespmem:s18], [sflag:$0x2], $0x80, s17, s17, $0xb8;
	[tilespmem:$0x18100] =	vst v63  }
0x7b: {  	_ =	swait.ge [sflag:s16], $0x4000  }
0x7c: {  	s24 =	smov.u32 s28;
	[sflag:s16] =	ssyncset.done $0x0  }
0x7d: {  	s24 =	sadd.s32 s23, s14;
	[sflag:s16] =	ssyncadd.s32 $0xFFFFC000  }
0x7e: {  	[tilespmem:s7], [sflag:$0x2] =	stream.linear.gather [hbm4b:s24+s7], $0x80, $0x38;
	[tilespmem:$0x18100] =	vst v63  }
0x7f: {  	_ =	swait.ge [sflag:s16], $0x80  }
0x80: {  	[sflag:s16] =	ssyncset.done $0x0  }
0x81: {  	s31 =	sadd.s32 s23, s13;
	[sflag:s16] =	ssyncadd.s32 $0xFFFFFF80  }
0x82: {  	[tilespmem:s17], [sflag:$0x2] =	stream.linear.gather [hbm4b:s31+s7], $0x80, $0x38;
	[tilespmem:$0x18100] =	vst v63  }
0x83: {  	_ =	swait.ge [sflag:s16], $0x80  }
0x84: {  	[sflag:s16] =	ssyncset.done $0x0  }
0x85: {  	[sflag:s16] =	ssyncadd.s32 $0xFFFFFF80  }
0x86: {  	[tilespmem:s18], [sflag:$0x1] =	stream.indirect.gather [hbm4b:s1+s17], $0x80, s7, s17, $0xb8;
	[tilespmem:$0x18100] =	vst v63  }
0x87: {  	_ =	swait.ge [sflag:s19], $0x4000  }
0x88: {  	[sflag:s19] =	ssyncset.done $0x0  }
0x89: {  	[sflag:s19] =	ssyncadd.s32 $0xFFFFC000  }
0x8a: {  	[spmem:s6] =	stream.indirect.scatter.add.f32 [tilespmem:s18], [sflag:$0x2], $0x80, s17, s17, $0xb8;
	[tilespmem:$0x18100] =	vst v63  }
0x8b: {  	_ =	swait.ge [sflag:s16], $0x4000  }
0x8c: {  	[sflag:s16] =	ssyncset.done $0x0  }
0x8d: {  	[sflag:s16] =	ssyncadd.s32 $0xFFFFC000  }
0x8e: {  	[bflag:$0x0] =	sbarrier.arrive $0xFFFF  }
0x8f: {  	[hbm:s10], [sflag:s9] =	dma.local [spmem:s20], $0x2700  }
.Ltmp7:
0x90: {  	_ = 	snop;
	(pc) =	sbr.rel @p2 .LBB2_8-.Ltmp7, $4  }
.Ltmp8:
0x91: {  	_ = 	snop;
	(pc) =	sbr.rel @!p2 .LBB2_9-.Ltmp8, $4  }
0x92: {  	_ =	swait.ge [sflag:s16], $0x2700  }
0x93: {  	[sflag:s16] =	ssyncset.done $0x0  }
0x94: {  	s23 =	smov.u32 s3;
	[sflag:s16] =	ssyncadd.s32 $0xFFFFD900  }
0x95: {  	_ = 	snop  }
.LBB2_10:
0x96: {  	_ =	sfence.sel $0x180000  }
0x97: {  	[bflag:$0x0] =	sbarrier.arrive $0xFFFF  }
0x98: {  	p0 =	sne.s32 s4, $0x0;
	_ =	strace $0x90000047  }
0x99: {  	s0 =	sadd.s32 @!p0 $0x100000, s0;
	[bflag:$0x2] =	sbarrier.arrive $0xFFFF  }
0x9a: {  	[sflag:s0] =	ssyncadd.tile.s32 @!p0 $0x1;
	_ =	shalt  }
.Lfunc_end2:
_tile_overlayer_lowered:
.L_overlay_start_2:
0x9b: {  	(tag) =	ssettag $0x2  }
0x9c: {  	s0 =	rddreg [dreg:$0x0];
	s2 =	stileid.u32  }
0x9d: {  	s1 =	rddreg [dreg:$0x1];
	p0 =	sne.s32 s2, $0x0  }
0x9e: {  	s3 =	rddreg [dreg:$0x2];
	[bflag:$0x3] =	sbarrier.arrive $0xFFFF;
	s2 =	simm.s32 @!p0 $0x1C02  }
0x9f: {  	[timem:s3], [sflag:s2] =	dma.local @!p0 [hbm:s0], s1  }
0xa0: {  	s0 =	simm.s32 @!p0 $0x2  }
0xa1: {  	_ =	swait.ge @!p0 [sflag:s0], s1  }
0xa2: {  	s1 =	ssub.s32 @!p0 $0x0, s1;
	[sflag:s0] =	ssyncset.done @!p0 $0x0  }
0xa3: {  	[sflag:s0] =	ssyncadd.s32 @!p0 s1  }
0xa4: {  	[bflag:$0x3] =	sbarrier.arrive $0xFFFF  }
0xa5: {  	_ =	shalt  }

</sc_bundles>
